<compile_context>
chip_gen: v7x
topology: tpu7x:2x2x1
jax: 0.10.2.dev20260603
libtpu: 0.0.44.dev20260713+nightly
codegen_flags: <defaults>
</compile_context>

<pallas_src>
import functools
import jax
import jax.numpy as jnp
from jax import lax
from jax.experimental import pallas as pl
from jax.experimental.pallas import tpu as pltpu
from jax.experimental.pallas import tpu_sc as plsc

_CAP = 16384
_F = 2048
_NW = 32
_HALF = _CAP // 2
_RPW = _HALF // _NW
_CH = 16
_NCHUNK = _RPW // _CH

_mesh = plsc.VectorSubcoreMesh(core_axis_name="c", subcore_axis_name="s")


@functools.partial(
    pl.kernel,
    mesh=_mesh,
    out_type=jax.ShapeDtypeStruct((_NW, 16), jnp.float32),
    scratch_types=[
        pltpu.VMEM((_CH, _F), jnp.float32),
        pltpu.VMEM((_CH, _F), jnp.float32),
        pltpu.VMEM((16,), jnp.float32),
        pltpu.SemaphoreType.DMA,
        pltpu.SemaphoreType.DMA,
    ],
)
def _sc_stream(bf_hbm, out_hbm, buf0, buf1, vout, sem0, sem1):
    cid = lax.axis_index("c")
    sid = lax.axis_index("s")
    wid = sid * 2 + cid
    base = _HALF + wid * _RPW
    bufs = [buf0, buf1]
    sems = [sem0, sem1]
    cps = [None, None]
    cps[0] = pltpu.async_copy(bf_hbm.at[pl.ds(base, _CH)], buf0, sem0)
    for k in range(1, _NCHUNK):
        b = k % 2
        cps[b] = pltpu.async_copy(
            bf_hbm.at[pl.ds(base + k * _CH, _CH)], bufs[b], sems[b])
        cps[1 - b].wait()
    cps[(_NCHUNK - 1) % 2].wait()
    vout[...] = buf0[0, pl.ds(0, 16)] + buf1[0, pl.ds(0, 16)]
    pltpu.sync_copy(vout, out_hbm.at[wid])


_BC = 1024
_NBH = _HALF // _BC


def _tc_sum(bf_ref, out_ref, acc):
    i = pl.program_id(0)

    @pl.when(i == 0)
    def _z():
        acc[...] = jnp.zeros_like(acc)

    acc[...] += jnp.sum(bf_ref[...], axis=0, keepdims=True)

    @pl.when(i == _NBH - 1)
    def _f():
        out_ref[...] = acc[...]


def kernel(obs, buffer_data, W_ide, W_pred1, W_pred2, W_tgt1, W_tgt2):
    bf = buffer_data.reshape(_CAP, _F)
    sc_out = _sc_stream(bf)
    tc_out = pl.pallas_call(
        _tc_sum,
        grid=(_NBH,),
        in_specs=[pl.BlockSpec((_BC, _F), lambda i: (i, 0))],
        out_specs=pl.BlockSpec((1, _F), lambda i: (0, 0)),
        out_shape=jax.ShapeDtypeStruct((1, _F), jnp.float32),
        scratch_shapes=[pltpu.VMEM((1, _F), jnp.float32)],
    )(bf)
    return tc_out[0, :64] + sc_out[:, 0][:32].repeat(2)[:64]

# --- scband reference (transcript-rebuilt; emitter-appended) ---
"""Pipeline reference for scband-ngu-6098853560364 (READ-ONLY COPY).

The authoritative reference and input builder live on the scoring server;
editing this copy changes nothing except your own understanding.
"""

import jax, jax.numpy as jnp
import numpy as np

CAP = 16384
NENV = 64
DIM = 32
OBS = 512
HID = 256
RND_OUT = 64
K = 10
EPS = 1e-3
MIN_DIST = 0.008
MAX_SIM = float(np.sqrt(4.0))
C = 1.0
L = 5.0


def setup_inputs(seed: int = 0) -> dict:
    key = jax.random.key(seed)
    ks = jax.random.split(key, 8)
    obs = jax.random.normal(ks[0], (NENV, OBS), dtype=jnp.float32)
    buffer_data = jax.random.normal(ks[1], (CAP, NENV, DIM), dtype=jnp.float32)
    W_ide = jax.random.normal(ks[2], (OBS, DIM), dtype=jnp.float32) / np.sqrt(OBS)
    W_pred1 = jax.random.normal(ks[3], (OBS, HID), dtype=jnp.float32) / np.sqrt(OBS)
    W_pred2 = jax.random.normal(ks[4], (HID, RND_OUT), dtype=jnp.float32) / np.sqrt(HID)
    W_tgt1 = jax.random.normal(ks[5], (OBS, HID), dtype=jnp.float32) / np.sqrt(OBS)
    W_tgt2 = jax.random.normal(ks[6], (HID, RND_OUT), dtype=jnp.float32) / np.sqrt(HID)
    return {
        "obs": obs,
        "buffer_data": buffer_data,
        "W_ide": W_ide,
        "W_pred1": W_pred1,
        "W_pred2": W_pred2,
        "W_tgt1": W_tgt1,
        "W_tgt2": W_tgt2,
    }


def reference(obs, buffer_data, W_ide, W_pred1, W_pred2, W_tgt1, W_tgt2):
    # ide embedding
    emb = obs @ W_ide  # [NENV, DIM]
    # --- EpisodeBuffer.get_nearest_neighbors (buffer full: n_in_buffer == capacity) ---
    obs_norm2 = jnp.sum(emb * emb, axis=1)                 # [NENV]
    buf_norm2 = jnp.sum(buffer_data * buffer_data, axis=2)  # [CAP, NENV]
    # per-env dot products: obs[ind] . data[:, ind]
    dot = jnp.einsum('nd,cnd->nc', emb, buffer_data)        # [NENV, CAP]
    di = obs_norm2[:, None] + buf_norm2.T - 2.0 * dot       # [NENV, CAP]
    # k smallest distances, sorted ascending (torch.sort(...)[:, :k])
    neg_top, _ = jax.lax.top_k(-di, K)                      # [NENV, K]
    dists = jnp.sort(-neg_top, axis=1)                      # [NENV, K]
    # --- running mean of k-th distance (single-step estimate) ---
    dist_running_avg = jnp.mean(dists[:, -1])
    dists = jnp.where(dist_running_avg > 1e-5, dists / dist_running_avg, dists)
    dists = jnp.maximum(dists - MIN_DIST, jnp.zeros_like(dists))
    kern = EPS / (dists + EPS)
    s = jnp.sqrt(C + kern.sum(axis=1))                      # [NENV]
    r = jnp.where(s > MAX_SIM, jnp.zeros_like(s), 1.0 / s)
    # --- RND novelty modifier ---
    pred = jax.nn.relu(obs @ W_pred1) @ W_pred2
    tgt = jax.nn.relu(obs @ W_tgt1) @ W_tgt2
    r_rnd = jnp.mean((pred - tgt) ** 2, axis=1)             # [NENV]
    # rnd mean/std correction collapses to +1 at init (err_norm mean=0)
    modifier = jnp.clip(r_rnd + 1.0, 1.0, L)
    reward = r * modifier
    # err_norm.std initialized to 1 -> divide by (1 + 1e-5)
    return reward / (1.0 + 1e-5)

if __name__ == "__main__":
    import jax
    _d = setup_inputs()
    print(jax.jit(kernel)(*tuple(_d.values())))

</pallas_src>

<mosaic_0001>
#map = affine_map<(d0, d1) -> (0, 0)>
module attributes {stable_mosaic.version = 14 : i64} {
  func.func @_sc_stream(%arg0: i32, %arg1: i32, %arg2: memref<16384x2048xf32, #tpu.memory_space<hbm>>, %arg3: memref<32x16xf32, #tpu.memory_space<hbm>>, %arg4: memref<16x2048xf32, #tpu.memory_space<vmem>>, %arg5: memref<16x2048xf32, #tpu.memory_space<vmem>>, %arg6: memref<16xf32, #tpu.memory_space<vmem>>, %arg7: memref<!tpu.dma_semaphore, #tpu.memory_space<semaphore_mem>>, %arg8: memref<!tpu.dma_semaphore, #tpu.memory_space<semaphore_mem>>) attributes {dimension_semantics = [#tpu.dimension_semantics<core_parallel>, #tpu.dimension_semantics<subcore_parallel>], iteration_bounds = array<i64: 2, 16>, scalar_prefetch = 0 : i64, scratch_operands = 5 : i64, tpu.core_type = #tpu.core_type<sc_vector_subcore>, window_params = [{transform_indices = #map}, {transform_indices = #map}]} {
    %mul3A = arith.constant 2 : i32
    %mul3A_0 = arith.muli %arg1, %mul3A : i32
    %add3A = arith.addi %mul3A_0, %arg0 : i32
    %mul3A_1 = arith.constant 256 : i32
    %mul3A_2 = arith.muli %add3A, %mul3A_1 : i32
    %add3A_3 = arith.constant 8192 : i32
    %add3A_4 = arith.addi %add3A_3, %mul3A_2 : i32
    %dma_start3A = arith.constant 0 : i32
    %dma_start3A_5 = tpu.memref_slice %arg2[%add3A_4, %dma_start3A] : memref<16384x2048xf32, #tpu.memory_space<hbm>> -> memref<16x2048xf32, #tpu.memory_space<hbm>>
    %dma_start3A_6 = arith.constant 0 : i32
    %dma_start3A_7 = tpu.memref_slice %arg2[%add3A_4, %dma_start3A_6] : memref<16384x2048xf32, #tpu.memory_space<hbm>> -> memref<16x2048xf32, #tpu.memory_space<hbm>>
    tpu.enqueue_dma source(%dma_start3A_7 : memref<16x2048xf32, #tpu.memory_space<hbm>>) target(%arg4 : memref<16x2048xf32, #tpu.memory_space<vmem>>) target_semaphore(%arg7 : memref<!tpu.dma_semaphore, #tpu.memory_space<semaphore_mem>>)
    %add3A_8 = arith.constant 16 : i32
    %add3A_9 = arith.addi %add3A_4, %add3A_8 : i32
    %dma_start3A_10 = arith.constant 0 : i32
    %dma_start3A_11 = tpu.memref_slice %arg2[%add3A_9, %dma_start3A_10] : memref<16384x2048xf32, #tpu.memory_space<hbm>> -> memref<16x2048xf32, #tpu.memory_space<hbm>>
    %dma_start3A_12 = arith.constant 0 : i32
    %dma_start3A_13 = tpu.memref_slice %arg2[%add3A_9, %dma_start3A_12] : memref<16384x2048xf32, #tpu.memory_space<hbm>> -> memref<16x2048xf32, #tpu.memory_space<hbm>>
    tpu.enqueue_dma source(%dma_start3A_13 : memref<16x2048xf32, #tpu.memory_space<hbm>>) target(%arg5 : memref<16x2048xf32, #tpu.memory_space<vmem>>) target_semaphore(%arg8 : memref<!tpu.dma_semaphore, #tpu.memory_space<semaphore_mem>>)
    %dma_wait3A = arith.constant 0 : i32
    %dma_wait3A_14 = tpu.memref_slice %arg2[%add3A_4, %dma_wait3A] : memref<16384x2048xf32, #tpu.memory_space<hbm>> -> memref<16x2048xf32, #tpu.memory_space<hbm>>
    %dma_wait3A_15 = arith.constant 0 : i32
    %dma_wait3A_16 = tpu.memref_slice %arg2[%add3A_4, %dma_wait3A_15] : memref<16384x2048xf32, #tpu.memory_space<hbm>> -> memref<16x2048xf32, #tpu.memory_space<hbm>>
    tpu.wait_dma2 semaphore(%arg7 : memref<!tpu.dma_semaphore, #tpu.memory_space<semaphore_mem>>) src(%dma_wait3A_16 : memref<16x2048xf32, #tpu.memory_space<hbm>>) dst(%arg4 : memref<16x2048xf32, #tpu.memory_space<vmem>>)
    %add3A_17 = arith.constant 32 : i32
    %add3A_18 = arith.addi %add3A_4, %add3A_17 : i32
    %dma_start3A_19 = arith.constant 0 : i32
    %dma_start3A_20 = tpu.memref_slice %arg2[%add3A_18, %dma_start3A_19] : memref<16384x2048xf32, #tpu.memory_space<hbm>> -> memref<16x2048xf32, #tpu.memory_space<hbm>>
    %dma_start3A_21 = arith.constant 0 : i32
    %dma_start3A_22 = tpu.memref_slice %arg2[%add3A_18, %dma_start3A_21] : memref<16384x2048xf32, #tpu.memory_space<hbm>> -> memref<16x2048xf32, #tpu.memory_space<hbm>>
    tpu.enqueue_dma source(%dma_start3A_22 : memref<16x2048xf32, #tpu.memory_space<hbm>>) target(%arg4 : memref<16x2048xf32, #tpu.memory_space<vmem>>) target_semaphore(%arg7 : memref<!tpu.dma_semaphore, #tpu.memory_space<semaphore_mem>>)
    %dma_wait3A_23 = arith.constant 0 : i32
    %dma_wait3A_24 = tpu.memref_slice %arg2[%add3A_9, %dma_wait3A_23] : memref<16384x2048xf32, #tpu.memory_space<hbm>> -> memref<16x2048xf32, #tpu.memory_space<hbm>>
    %dma_wait3A_25 = arith.constant 0 : i32
    %dma_wait3A_26 = tpu.memref_slice %arg2[%add3A_9, %dma_wait3A_25] : memref<16384x2048xf32, #tpu.memory_space<hbm>> -> memref<16x2048xf32, #tpu.memory_space<hbm>>
    tpu.wait_dma2 semaphore(%arg8 : memref<!tpu.dma_semaphore, #tpu.memory_space<semaphore_mem>>) src(%dma_wait3A_26 : memref<16x2048xf32, #tpu.memory_space<hbm>>) dst(%arg5 : memref<16x2048xf32, #tpu.memory_space<vmem>>)
    %add3A_27 = arith.constant 48 : i32
    %add3A_28 = arith.addi %add3A_4, %add3A_27 : i32
    %dma_start3A_29 = arith.constant 0 : i32
    %dma_start3A_30 = tpu.memref_slice %arg2[%add3A_28, %dma_start3A_29] : memref<16384x2048xf32, #tpu.memory_space<hbm>> -> memref<16x2048xf32, #tpu.memory_space<hbm>>
    %dma_start3A_31 = arith.constant 0 : i32
    %dma_start3A_32 = tpu.memref_slice %arg2[%add3A_28, %dma_start3A_31] : memref<16384x2048xf32, #tpu.memory_space<hbm>> -> memref<16x2048xf32, #tpu.memory_space<hbm>>
    tpu.enqueue_dma source(%dma_start3A_32 : memref<16x2048xf32, #tpu.memory_space<hbm>>) target(%arg5 : memref<16x2048xf32, #tpu.memory_space<vmem>>) target_semaphore(%arg8 : memref<!tpu.dma_semaphore, #tpu.memory_space<semaphore_mem>>)
    %dma_wait3A_33 = arith.constant 0 : i32
    %dma_wait3A_34 = tpu.memref_slice %arg2[%add3A_18, %dma_wait3A_33] : memref<16384x2048xf32, #tpu.memory_space<hbm>> -> memref<16x2048xf32, #tpu.memory_space<hbm>>
    %dma_wait3A_35 = arith.constant 0 : i32
    %dma_wait3A_36 = tpu.memref_slice %arg2[%add3A_18, %dma_wait3A_35] : memref<16384x2048xf32, #tpu.memory_space<hbm>> -> memref<16x2048xf32, #tpu.memory_space<hbm>>
    tpu.wait_dma2 semaphore(%arg7 : memref<!tpu.dma_semaphore, #tpu.memory_space<semaphore_mem>>) src(%dma_wait3A_36 : memref<16x2048xf32, #tpu.memory_space<hbm>>) dst(%arg4 : memref<16x2048xf32, #tpu.memory_space<vmem>>)
    %add3A_37 = arith.constant 64 : i32
    %add3A_38 = arith.addi %add3A_4, %add3A_37 : i32
    %dma_start3A_39 = arith.constant 0 : i32
    %dma_start3A_40 = tpu.memref_slice %arg2[%add3A_38, %dma_start3A_39] : memref<16384x2048xf32, #tpu.memory_space<hbm>> -> memref<16x2048xf32, #tpu.memory_space<hbm>>
    %dma_start3A_41 = arith.constant 0 : i32
    %dma_start3A_42 = tpu.memref_slice %arg2[%add3A_38, %dma_start3A_41] : memref<16384x2048xf32, #tpu.memory_space<hbm>> -> memref<16x2048xf32, #tpu.memory_space<hbm>>
    tpu.enqueue_dma source(%dma_start3A_42 : memref<16x2048xf32, #tpu.memory_space<hbm>>) target(%arg4 : memref<16x2048xf32, #tpu.memory_space<vmem>>) target_semaphore(%arg7 : memref<!tpu.dma_semaphore, #tpu.memory_space<semaphore_mem>>)
    %dma_wait3A_43 = arith.constant 0 : i32
    %dma_wait3A_44 = tpu.memref_slice %arg2[%add3A_28, %dma_wait3A_43] : memref<16384x2048xf32, #tpu.memory_space<hbm>> -> memref<16x2048xf32, #tpu.memory_space<hbm>>
    %dma_wait3A_45 = arith.constant 0 : i32
    %dma_wait3A_46 = tpu.memref_slice %arg2[%add3A_28, %dma_wait3A_45] : memref<16384x2048xf32, #tpu.memory_space<hbm>> -> memref<16x2048xf32, #tpu.memory_space<hbm>>
    tpu.wait_dma2 semaphore(%arg8 : memref<!tpu.dma_semaphore, #tpu.memory_space<semaphore_mem>>) src(%dma_wait3A_46 : memref<16x2048xf32, #tpu.memory_space<hbm>>) dst(%arg5 : memref<16x2048xf32, #tpu.memory_space<vmem>>)
    %add3A_47 = arith.constant 80 : i32
    %add3A_48 = arith.addi %add3A_4, %add3A_47 : i32
    %dma_start3A_49 = arith.constant 0 : i32
    %dma_start3A_50 = tpu.memref_slice %arg2[%add3A_48, %dma_start3A_49] : memref<16384x2048xf32, #tpu.memory_space<hbm>> -> memref<16x2048xf32, #tpu.memory_space<hbm>>
    %dma_start3A_51 = arith.constant 0 : i32
    %dma_start3A_52 = tpu.memref_slice %arg2[%add3A_48, %dma_start3A_51] : memref<16384x2048xf32, #tpu.memory_space<hbm>> -> memref<16x2048xf32, #tpu.memory_space<hbm>>
    tpu.enqueue_dma source(%dma_start3A_52 : memref<16x2048xf32, #tpu.memory_space<hbm>>) target(%arg5 : memref<16x2048xf32, #tpu.memory_space<vmem>>) target_semaphore(%arg8 : memref<!tpu.dma_semaphore, #tpu.memory_space<semaphore_mem>>)
    %dma_wait3A_53 = arith.constant 0 : i32
    %dma_wait3A_54 = tpu.memref_slice %arg2[%add3A_38, %dma_wait3A_53] : memref<16384x2048xf32, #tpu.memory_space<hbm>> -> memref<16x2048xf32, #tpu.memory_space<hbm>>
    %dma_wait3A_55 = arith.constant 0 : i32
    %dma_wait3A_56 = tpu.memref_slice %arg2[%add3A_38, %dma_wait3A_55] : memref<16384x2048xf32, #tpu.memory_space<hbm>> -> memref<16x2048xf32, #tpu.memory_space<hbm>>
    tpu.wait_dma2 semaphore(%arg7 : memref<!tpu.dma_semaphore, #tpu.memory_space<semaphore_mem>>) src(%dma_wait3A_56 : memref<16x2048xf32, #tpu.memory_space<hbm>>) dst(%arg4 : memref<16x2048xf32, #tpu.memory_space<vmem>>)
    %add3A_57 = arith.constant 96 : i32
    %add3A_58 = arith.addi %add3A_4, %add3A_57 : i32
    %dma_start3A_59 = arith.constant 0 : i32
    %dma_start3A_60 = tpu.memref_slice %arg2[%add3A_58, %dma_start3A_59] : memref<16384x2048xf32, #tpu.memory_space<hbm>> -> memref<16x2048xf32, #tpu.memory_space<hbm>>
    %dma_start3A_61 = arith.constant 0 : i32
    %dma_start3A_62 = tpu.memref_slice %arg2[%add3A_58, %dma_start3A_61] : memref<16384x2048xf32, #tpu.memory_space<hbm>> -> memref<16x2048xf32, #tpu.memory_space<hbm>>
    tpu.enqueue_dma source(%dma_start3A_62 : memref<16x2048xf32, #tpu.memory_space<hbm>>) target(%arg4 : memref<16x2048xf32, #tpu.memory_space<vmem>>) target_semaphore(%arg7 : memref<!tpu.dma_semaphore, #tpu.memory_space<semaphore_mem>>)
    %dma_wait3A_63 = arith.constant 0 : i32
    %dma_wait3A_64 = tpu.memref_slice %arg2[%add3A_48, %dma_wait3A_63] : memref<16384x2048xf32, #tpu.memory_space<hbm>> -> memref<16x2048xf32, #tpu.memory_space<hbm>>
    %dma_wait3A_65 = arith.constant 0 : i32
    %dma_wait3A_66 = tpu.memref_slice %arg2[%add3A_48, %dma_wait3A_65] : memref<16384x2048xf32, #tpu.memory_space<hbm>> -> memref<16x2048xf32, #tpu.memory_space<hbm>>
    tpu.wait_dma2 semaphore(%arg8 : memref<!tpu.dma_semaphore, #tpu.memory_space<semaphore_mem>>) src(%dma_wait3A_66 : memref<16x2048xf32, #tpu.memory_space<hbm>>) dst(%arg5 : memref<16x2048xf32, #tpu.memory_space<vmem>>)
    %add3A_67 = arith.constant 112 : i32
    %add3A_68 = arith.addi %add3A_4, %add3A_67 : i32
    %dma_start3A_69 = arith.constant 0 : i32
    %dma_start3A_70 = tpu.memref_slice %arg2[%add3A_68, %dma_start3A_69] : memref<16384x2048xf32, #tpu.memory_space<hbm>> -> memref<16x2048xf32, #tpu.memory_space<hbm>>
    %dma_start3A_71 = arith.constant 0 : i32
    %dma_start3A_72 = tpu.memref_slice %arg2[%add3A_68, %dma_start3A_71] : memref<16384x2048xf32, #tpu.memory_space<hbm>> -> memref<16x2048xf32, #tpu.memory_space<hbm>>
    tpu.enqueue_dma source(%dma_start3A_72 : memref<16x2048xf32, #tpu.memory_space<hbm>>) target(%arg5 : memref<16x2048xf32, #tpu.memory_space<vmem>>) target_semaphore(%arg8 : memref<!tpu.dma_semaphore, #tpu.memory_space<semaphore_mem>>)
    %dma_wait3A_73 = arith.constant 0 : i32
    %dma_wait3A_74 = tpu.memref_slice %arg2[%add3A_58, %dma_wait3A_73] : memref<16384x2048xf32, #tpu.memory_space<hbm>> -> memref<16x2048xf32, #tpu.memory_space<hbm>>
    %dma_wait3A_75 = arith.constant 0 : i32
    %dma_wait3A_76 = tpu.memref_slice %arg2[%add3A_58, %dma_wait3A_75] : memref<16384x2048xf32, #tpu.memory_space<hbm>> -> memref<16x2048xf32, #tpu.memory_space<hbm>>
    tpu.wait_dma2 semaphore(%arg7 : memref<!tpu.dma_semaphore, #tpu.memory_space<semaphore_mem>>) src(%dma_wait3A_76 : memref<16x2048xf32, #tpu.memory_space<hbm>>) dst(%arg4 : memref<16x2048xf32, #tpu.memory_space<vmem>>)
    %add3A_77 = arith.constant 128 : i32
    %add3A_78 = arith.addi %add3A_4, %add3A_77 : i32
    %dma_start3A_79 = arith.constant 0 : i32
    %dma_start3A_80 = tpu.memref_slice %arg2[%add3A_78, %dma_start3A_79] : memref<16384x2048xf32, #tpu.memory_space<hbm>> -> memref<16x2048xf32, #tpu.memory_space<hbm>>
    %dma_start3A_81 = arith.constant 0 : i32
    %dma_start3A_82 = tpu.memref_slice %arg2[%add3A_78, %dma_start3A_81] : memref<16384x2048xf32, #tpu.memory_space<hbm>> -> memref<16x2048xf32, #tpu.memory_space<hbm>>
    tpu.enqueue_dma source(%dma_start3A_82 : memref<16x2048xf32, #tpu.memory_space<hbm>>) target(%arg4 : memref<16x2048xf32, #tpu.memory_space<vmem>>) target_semaphore(%arg7 : memref<!tpu.dma_semaphore, #tpu.memory_space<semaphore_mem>>)
    %dma_wait3A_83 = arith.constant 0 : i32
    %dma_wait3A_84 = tpu.memref_slice %arg2[%add3A_68, %dma_wait3A_83] : memref<16384x2048xf32, #tpu.memory_space<hbm>> -> memref<16x2048xf32, #tpu.memory_space<hbm>>
    %dma_wait3A_85 = arith.constant 0 : i32
    %dma_wait3A_86 = tpu.memref_slice %arg2[%add3A_68, %dma_wait3A_85] : memref<16384x2048xf32, #tpu.memory_space<hbm>> -> memref<16x2048xf32, #tpu.memory_space<hbm>>
    tpu.wait_dma2 semaphore(%arg8 : memref<!tpu.dma_semaphore, #tpu.memory_space<semaphore_mem>>) src(%dma_wait3A_86 : memref<16x2048xf32, #tpu.memory_space<hbm>>) dst(%arg5 : memref<16x2048xf32, #tpu.memory_space<vmem>>)
    %add3A_87 = arith.constant 144 : i32
    %add3A_88 = arith.addi %add3A_4, %add3A_87 : i32
    %dma_start3A_89 = arith.constant 0 : i32
    %dma_start3A_90 = tpu.memref_slice %arg2[%add3A_88, %dma_start3A_89] : memref<16384x2048xf32, #tpu.memory_space<hbm>> -> memref<16x2048xf32, #tpu.memory_space<hbm>>
    %dma_start3A_91 = arith.constant 0 : i32
    %dma_start3A_92 = tpu.memref_slice %arg2[%add3A_88, %dma_start3A_91] : memref<16384x2048xf32, #tpu.memory_space<hbm>> -> memref<16x2048xf32, #tpu.memory_space<hbm>>
    tpu.enqueue_dma source(%dma_start3A_92 : memref<16x2048xf32, #tpu.memory_space<hbm>>) target(%arg5 : memref<16x2048xf32, #tpu.memory_space<vmem>>) target_semaphore(%arg8 : memref<!tpu.dma_semaphore, #tpu.memory_space<semaphore_mem>>)
    %dma_wait3A_93 = arith.constant 0 : i32
    %dma_wait3A_94 = tpu.memref_slice %arg2[%add3A_78, %dma_wait3A_93] : memref<16384x2048xf32, #tpu.memory_space<hbm>> -> memref<16x2048xf32, #tpu.memory_space<hbm>>
    %dma_wait3A_95 = arith.constant 0 : i32
    %dma_wait3A_96 = tpu.memref_slice %arg2[%add3A_78, %dma_wait3A_95] : memref<16384x2048xf32, #tpu.memory_space<hbm>> -> memref<16x2048xf32, #tpu.memory_space<hbm>>
    tpu.wait_dma2 semaphore(%arg7 : memref<!tpu.dma_semaphore, #tpu.memory_space<semaphore_mem>>) src(%dma_wait3A_96 : memref<16x2048xf32, #tpu.memory_space<hbm>>) dst(%arg4 : memref<16x2048xf32, #tpu.memory_space<vmem>>)
    %add3A_97 = arith.constant 160 : i32
    %add3A_98 = arith.addi %add3A_4, %add3A_97 : i32
    %dma_start3A_99 = arith.constant 0 : i32
    %dma_start3A_100 = tpu.memref_slice %arg2[%add3A_98, %dma_start3A_99] : memref<16384x2048xf32, #tpu.memory_space<hbm>> -> memref<16x2048xf32, #tpu.memory_space<hbm>>
    %dma_start3A_101 = arith.constant 0 : i32
    %dma_start3A_102 = tpu.memref_slice %arg2[%add3A_98, %dma_start3A_101] : memref<16384x2048xf32, #tpu.memory_space<hbm>> -> memref<16x2048xf32, #tpu.memory_space<hbm>>
    tpu.enqueue_dma source(%dma_start3A_102 : memref<16x2048xf32, #tpu.memory_space<hbm>>) target(%arg4 : memref<16x2048xf32, #tpu.memory_space<vmem>>) target_semaphore(%arg7 : memref<!tpu.dma_semaphore, #tpu.memory_space<semaphore_mem>>)
    %dma_wait3A_103 = arith.constant 0 : i32
    %dma_wait3A_104 = tpu.memref_slice %arg2[%add3A_88, %dma_wait3A_103] : memref<16384x2048xf32, #tpu.memory_space<hbm>> -> memref<16x2048xf32, #tpu.memory_space<hbm>>
    %dma_wait3A_105 = arith.constant 0 : i32
    %dma_wait3A_106 = tpu.memref_slice %arg2[%add3A_88, %dma_wait3A_105] : memref<16384x2048xf32, #tpu.memory_space<hbm>> -> memref<16x2048xf32, #tpu.memory_space<hbm>>
    tpu.wait_dma2 semaphore(%arg8 : memref<!tpu.dma_semaphore, #tpu.memory_space<semaphore_mem>>) src(%dma_wait3A_106 : memref<16x2048xf32, #tpu.memory_space<hbm>>) dst(%arg5 : memref<16x2048xf32, #tpu.memory_space<vmem>>)
    %add3A_107 = arith.constant 176 : i32
    %add3A_108 = arith.addi %add3A_4, %add3A_107 : i32
    %dma_start3A_109 = arith.constant 0 : i32
    %dma_start3A_110 = tpu.memref_slice %arg2[%add3A_108, %dma_start3A_109] : memref<16384x2048xf32, #tpu.memory_space<hbm>> -> memref<16x2048xf32, #tpu.memory_space<hbm>>
    %dma_start3A_111 = arith.constant 0 : i32
    %dma_start3A_112 = tpu.memref_slice %arg2[%add3A_108, %dma_start3A_111] : memref<16384x2048xf32, #tpu.memory_space<hbm>> -> memref<16x2048xf32, #tpu.memory_space<hbm>>
    tpu.enqueue_dma source(%dma_start3A_112 : memref<16x2048xf32, #tpu.memory_space<hbm>>) target(%arg5 : memref<16x2048xf32, #tpu.memory_space<vmem>>) target_semaphore(%arg8 : memref<!tpu.dma_semaphore, #tpu.memory_space<semaphore_mem>>)
    %dma_wait3A_113 = arith.constant 0 : i32
    %dma_wait3A_114 = tpu.memref_slice %arg2[%add3A_98, %dma_wait3A_113] : memref<16384x2048xf32, #tpu.memory_space<hbm>> -> memref<16x2048xf32, #tpu.memory_space<hbm>>
    %dma_wait3A_115 = arith.constant 0 : i32
    %dma_wait3A_116 = tpu.memref_slice %arg2[%add3A_98, %dma_wait3A_115] : memref<16384x2048xf32, #tpu.memory_space<hbm>> -> memref<16x2048xf32, #tpu.memory_space<hbm>>
    tpu.wait_dma2 semaphore(%arg7 : memref<!tpu.dma_semaphore, #tpu.memory_space<semaphore_mem>>) src(%dma_wait3A_116 : memref<16x2048xf32, #tpu.memory_space<hbm>>) dst(%arg4 : memref<16x2048xf32, #tpu.memory_space<vmem>>)
    %add3A_117 = arith.constant 192 : i32
    %add3A_118 = arith.addi %add3A_4, %add3A_117 : i32
    %dma_start3A_119 = arith.constant 0 : i32
    %dma_start3A_120 = tpu.memref_slice %arg2[%add3A_118, %dma_start3A_119] : memref<16384x2048xf32, #tpu.memory_space<hbm>> -> memref<16x2048xf32, #tpu.memory_space<hbm>>
    %dma_start3A_121 = arith.constant 0 : i32
    %dma_start3A_122 = tpu.memref_slice %arg2[%add3A_118, %dma_start3A_121] : memref<16384x2048xf32, #tpu.memory_space<hbm>> -> memref<16x2048xf32, #tpu.memory_space<hbm>>
    tpu.enqueue_dma source(%dma_start3A_122 : memref<16x2048xf32, #tpu.memory_space<hbm>>) target(%arg4 : memref<16x2048xf32, #tpu.memory_space<vmem>>) target_semaphore(%arg7 : memref<!tpu.dma_semaphore, #tpu.memory_space<semaphore_mem>>)
    %dma_wait3A_123 = arith.constant 0 : i32
    %dma_wait3A_124 = tpu.memref_slice %arg2[%add3A_108, %dma_wait3A_123] : memref<16384x2048xf32, #tpu.memory_space<hbm>> -> memref<16x2048xf32, #tpu.memory_space<hbm>>
    %dma_wait3A_125 = arith.constant 0 : i32
    %dma_wait3A_126 = tpu.memref_slice %arg2[%add3A_108, %dma_wait3A_125] : memref<16384x2048xf32, #tpu.memory_space<hbm>> -> memref<16x2048xf32, #tpu.memory_space<hbm>>
    tpu.wait_dma2 semaphore(%arg8 : memref<!tpu.dma_semaphore, #tpu.memory_space<semaphore_mem>>) src(%dma_wait3A_126 : memref<16x2048xf32, #tpu.memory_space<hbm>>) dst(%arg5 : memref<16x2048xf32, #tpu.memory_space<vmem>>)
    %add3A_127 = arith.constant 208 : i32
    %add3A_128 = arith.addi %add3A_4, %add3A_127 : i32
    %dma_start3A_129 = arith.constant 0 : i32
    %dma_start3A_130 = tpu.memref_slice %arg2[%add3A_128, %dma_start3A_129] : memref<16384x2048xf32, #tpu.memory_space<hbm>> -> memref<16x2048xf32, #tpu.memory_space<hbm>>
    %dma_start3A_131 = arith.constant 0 : i32
    %dma_start3A_132 = tpu.memref_slice %arg2[%add3A_128, %dma_start3A_131] : memref<16384x2048xf32, #tpu.memory_space<hbm>> -> memref<16x2048xf32, #tpu.memory_space<hbm>>
    tpu.enqueue_dma source(%dma_start3A_132 : memref<16x2048xf32, #tpu.memory_space<hbm>>) target(%arg5 : memref<16x2048xf32, #tpu.memory_space<vmem>>) target_semaphore(%arg8 : memref<!tpu.dma_semaphore, #tpu.memory_space<semaphore_mem>>)
    %dma_wait3A_133 = arith.constant 0 : i32
    %dma_wait3A_134 = tpu.memref_slice %arg2[%add3A_118, %dma_wait3A_133] : memref<16384x2048xf32, #tpu.memory_space<hbm>> -> memref<16x2048xf32, #tpu.memory_space<hbm>>
    %dma_wait3A_135 = arith.constant 0 : i32
    %dma_wait3A_136 = tpu.memref_slice %arg2[%add3A_118, %dma_wait3A_135] : memref<16384x2048xf32, #tpu.memory_space<hbm>> -> memref<16x2048xf32, #tpu.memory_space<hbm>>
    tpu.wait_dma2 semaphore(%arg7 : memref<!tpu.dma_semaphore, #tpu.memory_space<semaphore_mem>>) src(%dma_wait3A_136 : memref<16x2048xf32, #tpu.memory_space<hbm>>) dst(%arg4 : memref<16x2048xf32, #tpu.memory_space<vmem>>)
    %add3A_137 = arith.constant 224 : i32
    %add3A_138 = arith.addi %add3A_4, %add3A_137 : i32
    %dma_start3A_139 = arith.constant 0 : i32
    %dma_start3A_140 = tpu.memref_slice %arg2[%add3A_138, %dma_start3A_139] : memref<16384x2048xf32, #tpu.memory_space<hbm>> -> memref<16x2048xf32, #tpu.memory_space<hbm>>
    %dma_start3A_141 = arith.constant 0 : i32
    %dma_start3A_142 = tpu.memref_slice %arg2[%add3A_138, %dma_start3A_141] : memref<16384x2048xf32, #tpu.memory_space<hbm>> -> memref<16x2048xf32, #tpu.memory_space<hbm>>
    tpu.enqueue_dma source(%dma_start3A_142 : memref<16x2048xf32, #tpu.memory_space<hbm>>) target(%arg4 : memref<16x2048xf32, #tpu.memory_space<vmem>>) target_semaphore(%arg7 : memref<!tpu.dma_semaphore, #tpu.memory_space<semaphore_mem>>)
    %dma_wait3A_143 = arith.constant 0 : i32
    %dma_wait3A_144 = tpu.memref_slice %arg2[%add3A_128, %dma_wait3A_143] : memref<16384x2048xf32, #tpu.memory_space<hbm>> -> memref<16x2048xf32, #tpu.memory_space<hbm>>
    %dma_wait3A_145 = arith.constant 0 : i32
    %dma_wait3A_146 = tpu.memref_slice %arg2[%add3A_128, %dma_wait3A_145] : memref<16384x2048xf32, #tpu.memory_space<hbm>> -> memref<16x2048xf32, #tpu.memory_space<hbm>>
    tpu.wait_dma2 semaphore(%arg8 : memref<!tpu.dma_semaphore, #tpu.memory_space<semaphore_mem>>) src(%dma_wait3A_146 : memref<16x2048xf32, #tpu.memory_space<hbm>>) dst(%arg5 : memref<16x2048xf32, #tpu.memory_space<vmem>>)
    %add3A_147 = arith.constant 240 : i32
    %add3A_148 = arith.addi %add3A_4, %add3A_147 : i32
    %dma_start3A_149 = arith.constant 0 : i32
    %dma_start3A_150 = tpu.memref_slice %arg2[%add3A_148, %dma_start3A_149] : memref<16384x2048xf32, #tpu.memory_space<hbm>> -> memref<16x2048xf32, #tpu.memory_space<hbm>>
    %dma_start3A_151 = arith.constant 0 : i32
    %dma_start3A_152 = tpu.memref_slice %arg2[%add3A_148, %dma_start3A_151] : memref<16384x2048xf32, #tpu.memory_space<hbm>> -> memref<16x2048xf32, #tpu.memory_space<hbm>>
    tpu.enqueue_dma source(%dma_start3A_152 : memref<16x2048xf32, #tpu.memory_space<hbm>>) target(%arg5 : memref<16x2048xf32, #tpu.memory_space<vmem>>) target_semaphore(%arg8 : memref<!tpu.dma_semaphore, #tpu.memory_space<semaphore_mem>>)
    %dma_wait3A_153 = arith.constant 0 : i32
    %dma_wait3A_154 = tpu.memref_slice %arg2[%add3A_138, %dma_wait3A_153] : memref<16384x2048xf32, #tpu.memory_space<hbm>> -> memref<16x2048xf32, #tpu.memory_space<hbm>>
    %dma_wait3A_155 = arith.constant 0 : i32
    %dma_wait3A_156 = tpu.memref_slice %arg2[%add3A_138, %dma_wait3A_155] : memref<16384x2048xf32, #tpu.memory_space<hbm>> -> memref<16x2048xf32, #tpu.memory_space<hbm>>
    tpu.wait_dma2 semaphore(%arg7 : memref<!tpu.dma_semaphore, #tpu.memory_space<semaphore_mem>>) src(%dma_wait3A_156 : memref<16x2048xf32, #tpu.memory_space<hbm>>) dst(%arg4 : memref<16x2048xf32, #tpu.memory_space<vmem>>)
    %dma_wait3A_157 = arith.constant 0 : i32
    %dma_wait3A_158 = tpu.memref_slice %arg2[%add3A_148, %dma_wait3A_157] : memref<16384x2048xf32, #tpu.memory_space<hbm>> -> memref<16x2048xf32, #tpu.memory_space<hbm>>
    %dma_wait3A_159 = arith.constant 0 : i32
    %dma_wait3A_160 = tpu.memref_slice %arg2[%add3A_148, %dma_wait3A_159] : memref<16384x2048xf32, #tpu.memory_space<hbm>> -> memref<16x2048xf32, #tpu.memory_space<hbm>>
    tpu.wait_dma2 semaphore(%arg8 : memref<!tpu.dma_semaphore, #tpu.memory_space<semaphore_mem>>) src(%dma_wait3A_160 : memref<16x2048xf32, #tpu.memory_space<hbm>>) dst(%arg5 : memref<16x2048xf32, #tpu.memory_space<vmem>>)
    %get3A = arith.constant 0 : i32
    %get3A_161 = arith.index_cast %get3A : i32 to index
    %get3A_162 = arith.constant 0 : index
    %get3A_163 = tpu.vector_load %arg4[%get3A_161, %get3A_162] {strides = array<i32>} : memref<16x2048xf32, #tpu.memory_space<vmem>>, vector<1x16xf32>,
    %get3A_164 = vector.shape_cast %get3A_163 : vector<1x16xf32> to vector<16xf32>
    %get3A_165 = arith.constant 0 : i32
    %get3A_166 = arith.index_cast %get3A_165 : i32 to index
    %get3A_167 = arith.constant 0 : index
    %get3A_168 = tpu.vector_load %arg5[%get3A_166, %get3A_167] {strides = array<i32>} : memref<16x2048xf32, #tpu.memory_space<vmem>>, vector<1x16xf32>,
    %get3A_169 = vector.shape_cast %get3A_168 : vector<1x16xf32> to vector<16xf32>
    %add3A_170 = arith.addf %get3A_164, %get3A_169 : vector<16xf32>
    %swap3A = arith.constant 0 : index
    %swap3A_171 = tpu.vector_load %arg6[%swap3A] {strides = array<i32>} : memref<16xf32, #tpu.memory_space<vmem>>, vector<16xf32>,
    %swap3A_172 = vector.shape_cast %swap3A_171 : vector<16xf32> to vector<16xf32>
    %swap3A_173 = vector.shape_cast %add3A_170 : vector<16xf32> to vector<16xf32>
    tpu.vector_store %arg6[%swap3A], %swap3A_173 {strides = array<i32>} : memref<16xf32, #tpu.memory_space<vmem>>, vector<16xf32>,
    "tpu.region"() ({
      %run_scoped3A = tpu.sem_alloc : memref<!tpu.dma_semaphore, #tpu.memory_space<semaphore_mem>>
      %dma_start3A_174 = arith.constant 0 : i32
      %dma_start3A_175 = tpu.memref_slice %arg3[%add3A, %dma_start3A_174] : memref<32x16xf32, #tpu.memory_space<hbm>> -> memref<1x16xf32, #tpu.memory_space<hbm>>
      %dma_start3A_176 = tpu.memref_squeeze %dma_start3A_175 : memref<1x16xf32, #tpu.memory_space<hbm>> -> memref<16xf32, #tpu.memory_space<hbm>>
      %dma_start3A_177 = arith.constant 0 : i32
      %dma_start3A_178 = tpu.memref_slice %arg3[%add3A, %dma_start3A_177] : memref<32x16xf32, #tpu.memory_space<hbm>> -> memref<1x16xf32, #tpu.memory_space<hbm>>
      %dma_start3A_179 = tpu.memref_squeeze %dma_start3A_178 : memref<1x16xf32, #tpu.memory_space<hbm>> -> memref<16xf32, #tpu.memory_space<hbm>>
      tpu.enqueue_dma source(%arg6 : memref<16xf32, #tpu.memory_space<vmem>>) target(%dma_start3A_179 : memref<16xf32, #tpu.memory_space<hbm>>) target_semaphore(%run_scoped3A : memref<!tpu.dma_semaphore, #tpu.memory_space<semaphore_mem>>)
      %dma_wait3A_180 = arith.constant 0 : i32
      %dma_wait3A_181 = tpu.memref_slice %arg3[%add3A, %dma_wait3A_180] : memref<32x16xf32, #tpu.memory_space<hbm>> -> memref<1x16xf32, #tpu.memory_space<hbm>>
      %dma_wait3A_182 = tpu.memref_squeeze %dma_wait3A_181 : memref<1x16xf32, #tpu.memory_space<hbm>> -> memref<16xf32, #tpu.memory_space<hbm>>
      %dma_wait3A_183 = arith.constant 0 : i32
      %dma_wait3A_184 = tpu.memref_slice %arg3[%add3A, %dma_wait3A_183] : memref<32x16xf32, #tpu.memory_space<hbm>> -> memref<1x16xf32, #tpu.memory_space<hbm>>
      %dma_wait3A_185 = tpu.memref_squeeze %dma_wait3A_184 : memref<1x16xf32, #tpu.memory_space<hbm>> -> memref<16xf32, #tpu.memory_space<hbm>>
      tpu.wait_dma2 semaphore(%run_scoped3A : memref<!tpu.dma_semaphore, #tpu.memory_space<semaphore_mem>>) src(%arg6 : memref<16xf32, #tpu.memory_space<vmem>>) dst(%dma_wait3A_185 : memref<16xf32, #tpu.memory_space<hbm>>)
      tpu.yield
    }) : () -> ()
    return
  }
}

module attributes {stable_mosaic.version = 14 : i64} {
  func.func @_tc_sum(%arg0: i32, %arg1: memref<1024x2048xf32, #tpu.memory_space<vmem>>, %arg2: memref<1x2048xf32, #tpu.memory_space<vmem>>, %arg3: memref<1x2048xf32, #tpu.memory_space<vmem>>) attributes {dimension_semantics = [#tpu.dimension_semantics<arbitrary>], iteration_bounds = array<i64: 8>, scalar_prefetch = 0 : i64, scratch_operands = 1 : i64, tpu.core_type = #tpu.core_type<tc>, window_params = [{transform_indices = @transform_0, window_bounds = array<i64: 1024, 2048>}, {pipeline_mode = #tpu.pipeline_mode<synchronous>, transform_indices = @transform_1, window_bounds = array<i64: 1, 2048>}]} {
    %eq3A = arith.constant 0 : i32
    %eq3A_0 = arith.cmpi eq, %arg0, %eq3A : i32
    %convert_element_type3A = arith.extui %eq3A_0 : i1 to i32
    %cond3A = arith.constant 0 : i32
    %cond3A_1 = arith.cmpi ne, %convert_element_type3A, %cond3A : i32
    scf.if %cond3A_1 {
      %broadcast_in_dim3A_15 = arith.constant 0.000000e+00 : f32
      %broadcast_in_dim3A_16 = vector.broadcast %broadcast_in_dim3A_15 : f32 to vector<1x2048xf32>
      %swap3A_17 = arith.constant 0 : index
      %swap3A_18 = arith.constant 0 : index
      %swap3A_19 = vector.load %arg3[%swap3A_17, %swap3A_18] : memref<1x2048xf32, #tpu.memory_space<vmem>>, vector<1x2048xf32>
      tpu.vector_store %arg3[%swap3A_17, %swap3A_18], %broadcast_in_dim3A_16 {strides = array<i32>} : memref<1x2048xf32, #tpu.memory_space<vmem>>, vector<1x2048xf32>,
    } else {
    }
    %get3A = arith.constant 0 : index
    %get3A_2 = arith.constant 0 : index
    %get3A_3 = vector.load %arg3[%get3A, %get3A_2] : memref<1x2048xf32, #tpu.memory_space<vmem>>, vector<1x2048xf32>
    %get3A_4 = arith.constant 0 : index
    %get3A_5 = arith.constant 0 : index
    %get3A_6 = vector.load %arg1[%get3A_4, %get3A_5] : memref<1024x2048xf32, #tpu.memory_space<vmem>>, vector<1024x2048xf32>
    %reduce_sum3A = arith.constant dense<0.000000e+00> : vector<2048xf32>
    %reduce_sum3A_7 = vector.multi_reduction <add>, %get3A_6, %reduce_sum3A [0] : vector<1024x2048xf32> to vector<2048xf32>
    %broadcast_in_dim3A = vector.shape_cast %reduce_sum3A_7 : vector<2048xf32> to vector<1x2048xf32>
    %add3A = arith.addf %get3A_3, %broadcast_in_dim3A : vector<1x2048xf32>
    %swap3A = arith.constant 0 : index
    %swap3A_8 = arith.constant 0 : index
    %swap3A_9 = vector.load %arg3[%swap3A, %swap3A_8] : memref<1x2048xf32, #tpu.memory_space<vmem>>, vector<1x2048xf32>
    tpu.vector_store %arg3[%swap3A, %swap3A_8], %add3A {strides = array<i32>} : memref<1x2048xf32, #tpu.memory_space<vmem>>, vector<1x2048xf32>,
    %eq3A_10 = arith.constant 7 : i32
    %eq3A_11 = arith.cmpi eq, %arg0, %eq3A_10 : i32
    %convert_element_type3A_12 = arith.extui %eq3A_11 : i1 to i32
    %cond3A_13 = arith.constant 0 : i32
    %cond3A_14 = arith.cmpi ne, %convert_element_type3A_12, %cond3A_13 : i32
    scf.if %cond3A_14 {
      %get3A_15 = arith.constant 0 : index
      %get3A_16 = arith.constant 0 : index
      %get3A_17 = vector.load %arg3[%get3A_15, %get3A_16] : memref<1x2048xf32, #tpu.memory_space<vmem>>, vector<1x2048xf32>
      %swap3A_18 = arith.constant 0 : index
      %swap3A_19 = arith.constant 0 : index
      %swap3A_20 = vector.load %arg2[%swap3A_18, %swap3A_19] : memref<1x2048xf32, #tpu.memory_space<vmem>>, vector<1x2048xf32>
      tpu.vector_store %arg2[%swap3A_18, %swap3A_19], %get3A_17 {strides = array<i32>} : memref<1x2048xf32, #tpu.memory_space<vmem>>, vector<1x2048xf32>,
    } else {
    }
    return
  }
  func.func @transform_0(%arg0: i32) -> (i32, i32) {
    %c0_i32 = arith.constant 0 : i32
    %c0_i32_0 = arith.constant 0 : i32
    return %arg0, %c0_i32 : i32, i32
  }
  func.func @transform_1(%arg0: i32) -> (i32, i32) {
    %c0_i32 = arith.constant 0 : i32
    %c0_i32_0 = arith.constant 0 : i32
    %c0_i32_1 = arith.constant 0 : i32
    return %c0_i32, %c0_i32_0 : i32, i32
  }
}

</mosaic_0001>

<sc_bundles>
// kernel: kernel.4.cloned.1.call-start
scs
__scs_entry_jumppad:
0x0: {  	(pc) =	sbr.rel $0x88, $3  }
0x1: {  	(tag) =	ssettag $0x0;
	lr =	simm.s32 $0x1  }
0x2: {  	[smem:$0x3FA0] =	sst lr;
	_ =	strace $0xD0000000  }
0x3: {  	_ = 	snop  }
0x4: {  	_ = 	snop  }
0x5: {  	_ = 	snop  }
0x6: {  	_ = 	snop  }
0x7: {  	_ = 	snop  }
__scs_overlays_trampoline_lowered:
0x8: {  	[smem:$0x3FAF] =	sst s0  }
0x9: {  	[smem:$0x3FB0] =	sst s1  }
0xa: {  	[smem:$0x3FB1] =	sst s2  }
0xb: {  	[smem:$0x3FB2] =	sst s3  }
0xc: {  	[smem:$0x3FB3] =	sst s4  }
0xd: {  	[smem:$0x3FB4] =	sst s5  }
0xe: {  	[smem:$0x3FB5] =	sst s6  }
0xf: {  	[smem:$0x3FB6] =	sst s7  }
0x10: {  	[smem:$0x3FB7] =	sst s8  }
0x11: {  	[smem:$0x3FB8] =	sst s9;
	s0 =	simm.s32 @!p0 $0x0  }
0x12: {  	s1 =	sld [smem:$0x3F9E];
	s0 =	simm.s32 @p0 $0x1  }
0x13: {  	[smem:$0x3FB9] =	sst s0;
	s0 =	simm.s32 @!p1 $0x0  }
0x14: {  	s2 =	sld [smem:$0x3F9D];
	s0 =	simm.s32 @p1 $0x1  }
0x15: {  	[smem:$0x3FBA] =	sst s0;
	s0 =	simm.s32 @!p2 $0x0  }
0x16: {  	s3 =	sld [smem:$0x3FDB];
	s0 =	simm.s32 @p2 $0x1  }
0x17: {  	s4 =	simm.s32 $0x1BF5;
	[smem:$0x3FBC] =	sst s0  }
0x18: {  	s0 =	sld [smem:$0x3F9F];
	_ =	swait.ge [sflag:s4], $0x0  }
0x19: {  	s7 =	sld [smem:$0x3FA0]  }
0x1a: {  	s8 =	sadd.s32 $0xFFFFE003, lr  }
0x1b: {  	s9 =	sadd.s32 $0xFFFFFEF7, lr;
	s5 =	simm.s32 $0xFFFFFFFF;
	p2 =	slt.u32 s8, $0xFFFFF086  }
0x1c: {  	p1 =	slt.u32 s9, $0xF7A;
	s5 =	simm.s32 @!p2 $0x0  }
0x1d: {  	s5 =	simm.s32 @p1 $0x1;
	p0 =	seq.s32 s7, s2  }
0x1e: {  	s7 =	smul.u32 @!p0 $0xF7A, s2;
	p2 =	seq.s32 @!p0 s5, $0x0  }
0x1f: {  	s9 =	smul.u32 $0xF7A, s1;
	s8 =	simm.s32 @!p0 $0x1BF5;
	p2 =	por !p2, p0  }
0x20: {  	[sflag:s8] =	ssyncset.s32 @!p0 $0xFFFFF086;
	s6 =	sadd.s32 @!p0 s3, s7;
	s7 =	simm.s32 @!p0 $0x108  }
0x21: {  	s3 =	sadd.s32 s3, s9;
	s6 =	sadd.s32 @!p0 $0x88, s6;
	s7 =	simm.s32 @p2 $0x1082  }
0x22: {  	[simem:s7], [sflag:s8] =	dma.local @!p0 [hbm:s6], $0xF7A  }
0x23: {  	s9 =	sor.u32 $0xD0000000, s2;
	s6 =	simm.s32 $0x108;
	_ =	swait.ge @!p0 [sflag:s8], $0x0  }
0x24: {  	s3 =	sadd.s32 $0x88, s3;
	s6 =	simm.s32 @!p1 $0x1082;
	[sflag:s4] =	ssyncset.s32 $0xFFFFF086  }
0x25: {  	[simem:s6], [sflag:s4] =	dma.local [hbm:s3], $0xF7A  }
0x26: {  	[smem:$0x3FA0] =	sst s1;
	(tag) =	ssettag s2;
	_ =	strace s9  }
0x27: {  	s1 =	sld [smem:$0x3FB0]  }
0x28: {  	s2 =	sld [smem:$0x3FB1]  }
0x29: {  	s4 =	sld [smem:$0x3FB3]  }
0x2a: {  	p0 =	seq.s32 s5, $0x0;
	s5 =	sld [smem:$0x3FB4]  }
0x2b: {  	s6 =	sld [smem:$0x3FB5]  }
0x2c: {  	s7 =	sld [smem:$0x3FB6]  }
0x2d: {  	s3 =	simm.s32 $0x108;
	s8 =	sld [smem:$0x3FB7]  }
0x2e: {  	s3 =	simm.s32 @!p0 $0x1082;
	s9 =	sld [smem:$0x3FB8]  }
0x2f: {  	lr =	sadd.s32 s0, s3;
	s0 =	sld [smem:$0x3FAF]  }
0x30: {  	s3 =	sld [smem:$0x3FB2]  }
0x31: {  	[smem:$0x3FBB] =	sst s10  }
0x32: {  	s10 =	sld [smem:$0x3FB9];
	_ =	sdelay $0x3  }
0x33: {  	p0 =	seq.s32 s10, $0x1;
	s10 =	sld [smem:$0x3FBB];
	_ =	sdelay $0x3  }
0x34: {  	[smem:$0x3FBB] =	sst s10  }
0x35: {  	s10 =	sld [smem:$0x3FBA];
	_ =	sdelay $0x3  }
0x36: {  	p1 =	seq.s32 s10, $0x1;
	s10 =	sld [smem:$0x3FBB];
	_ =	sdelay $0x3  }
0x37: {  	[smem:$0x3FBB] =	sst s10  }
0x38: {  	s10 =	sld [smem:$0x3FBC]  }
0x39: {  	_ = 	snop;
	(pc) =	sbr.ind lr, $3  }
0x3a: {  	_ = 	snop  }
0x3b: {  	_ = 	snop  }
0x3c: {  	p2 =	seq.s32 s10, $0x1;
	s10 =	sld [smem:$0x3FBB]  }
0x3d: {  	_ =	shalt  }
0x3e: {  	_ =	shalt  }
0x3f: {  	_ =	shalt  }
0x40: {  	_ =	shalt  }
0x41: {  	_ =	shalt  }
0x42: {  	_ =	shalt  }
0x43: {  	_ =	shalt  }
0x44: {  	_ =	shalt  }
0x45: {  	_ =	shalt  }
0x46: {  	_ =	shalt  }
0x47: {  	_ =	shalt  }
0x48: {  	_ =	shalt  }
0x49: {  	_ =	shalt  }
0x4a: {  	_ =	shalt  }
0x4b: {  	_ =	shalt  }
0x4c: {  	_ =	shalt  }
0x4d: {  	_ =	shalt  }
0x4e: {  	_ =	shalt  }
0x4f: {  	_ =	shalt  }
0x50: {  	_ =	shalt  }
0x51: {  	_ =	shalt  }
0x52: {  	_ =	shalt  }
0x53: {  	_ =	shalt  }
0x54: {  	_ =	shalt  }
0x55: {  	_ =	shalt  }
0x56: {  	_ =	shalt  }
0x57: {  	_ =	shalt  }
0x58: {  	_ =	shalt  }
0x59: {  	_ =	shalt  }
0x5a: {  	_ =	shalt  }
0x5b: {  	_ =	shalt  }
0x5c: {  	_ =	shalt  }
0x5d: {  	_ =	shalt  }
0x5e: {  	_ =	shalt  }
0x5f: {  	_ =	shalt  }
0x60: {  	_ =	shalt  }
0x61: {  	_ =	shalt  }
0x62: {  	_ =	shalt  }
0x63: {  	_ =	shalt  }
0x64: {  	_ =	shalt  }
0x65: {  	_ =	shalt  }
0x66: {  	_ =	shalt  }
0x67: {  	_ =	shalt  }
0x68: {  	_ =	shalt  }
0x69: {  	_ =	shalt  }
0x6a: {  	_ =	shalt  }
0x6b: {  	_ =	shalt  }
0x6c: {  	_ =	shalt  }
0x6d: {  	_ =	shalt  }
0x6e: {  	_ =	shalt  }
0x6f: {  	_ =	shalt  }
0x70: {  	_ =	shalt  }
0x71: {  	_ =	shalt  }
0x72: {  	_ =	shalt  }
0x73: {  	_ =	shalt  }
0x74: {  	_ =	shalt  }
0x75: {  	_ =	shalt  }
0x76: {  	_ =	shalt  }
0x77: {  	_ =	shalt  }
0x78: {  	_ =	shalt  }
0x79: {  	_ =	shalt  }
0x7a: {  	_ =	shalt  }
0x7b: {  	_ =	shalt  }
0x7c: {  	_ =	shalt  }
0x7d: {  	_ =	shalt  }
0x7e: {  	_ =	shalt  }
0x7f: {  	_ =	shalt  }
0x80: {  	_ =	shalt  }
0x81: {  	_ =	shalt  }
0x82: {  	_ =	shalt  }
0x83: {  	_ =	shalt  }
0x84: {  	_ =	shalt  }
0x85: {  	_ =	shalt  }
0x86: {  	_ =	shalt  }
0x87: {  	_ =	shalt  }
.Lfunc_end0:
.L_simem_size_0:
called_computation_lowered:
.L_overlay_start_0:
0x88: {  	s2 =	sld [smem:$0x3FD9]  }
0x89: {  	s3 =	sld [smem:$0x3FFE];
	_ =	sdelay $0x1  }
0x8a: {  	s1 =	srdreg.scid  }
0x8b: {  	s0 =	sand.u32 $0x1, s1  }
0x8c: {  	s16 =	sshll.u32 s0, $0xA;
	s2 =	sadd.s32 s3, s2  }
0x8d: {  	s2 =	sadd.s32 s2, s16  }
0x8e: {  	[smem:$0x3FC7] =	sst s2  }
0x8f: {  	_ = 	snop  }
0x90: {  	(tm) =	ssettm $0x1  }
0x91: {  	s17 =	sld [smem:$0x3FFB];
	_ =	sdelay $0x3  }
0x92: {  	_ =	strace s17  }
0x93: {  	s2 =	sld [smem:$0x3FFC];
	_ =	sdelay $0x3  }
0x94: {  	_ =	strace s2  }
0x95: {  	s2 =	sld [smem:$0x3FFD];
	_ =	sdelay $0x3  }
0x96: {  	_ =	strace s2  }
0x97: {  	_ =	strace $0x8FFFFFFF  }
0x98: {  	s18 =	sld [smem:$0x3FDB];
	_ =	sdelay $0x1  }
0x99: {  	s19 =	simm.s32 $_scs_section_size  }
0x9a: {  	s4 =	simm.s32 $_size__tile_overlayer_lowered;
	s5 =	simm.s32 $_tile_overlayer_lowered  }
0x9b: {  	s22 =	simm.s32 $0x1BFF;
	s21 =	sshll.u32 s5, $0x1;
	s2 =	sadd.s32 s19, s18  }
0x9c: {  	s6 =	simm.s32 $0x0;
	s20 =	sshll.u32 s4, $0x1;
	s4 =	sadd.s32 s21, s2  }
0x9d: {  	[timem:s6], [sflag:s22] =	dma.local [hbm:s4], s20  }
0x9e: {  	_ =	swait.ge [sflag:s22], s20  }
0x9f: {  	s3 =	ssub.s32 $0x0, s20;
	[sflag:s22] =	ssyncset.done $0x0  }
0xa0: {  	[sflag:s22] =	ssyncadd.s32 s3;
	_ =	sdelay $0x1  }
0xa1: {  	s23 =	simm.s32 $0x1B8B  }
0xa2: {  	_ =	swait.ge [sflag:s23], $0x1  }
0xa3: {  	[sflag:s23] =	ssyncset.done $0x0  }
0xa4: {  	s25 =	simm.s32 $0x1B8E;
	s24 =	sld [smem:$0x3FFE];
	[sflag:s23] =	ssyncadd.s32 $0xFFFFFFFF  }
0xa5: {  	s26 =	simm.s32 $execute0_lowered;
	[smem:$0x3FD2] =	sst s25  }
0xa6: {  	s4 =	sshll.u32 s26, $0x1;
	_ =	strace $0x80000046;
	[dreg:$0x1] =	wrdreg $0xFFFFFFFF  }
0xa7: {  	s28 =	simm.s32 $_size_execute0_lowered;
	s2 =	sadd.s32 s2, s4;
	[dreg:$0x0] =	wrdreg $0x0  }
0xa8: {  	s4 =	sshll.u32 s28, $0x1;
	[dreg:$0x2] =	wrdreg s2  }
0xa9: {  	[dreg:$0x3] =	wrdreg s4  }
0xaa: {  	[dreg:$0x4] =	wrdreg $0xC0  }
0xab: {  	_ =	task [dreg:s6], $0x5FFFF  }
0xac: {  	[dreg:$0x1] =	wrdreg $0xFFFFFFFF  }
0xad: {  	[dreg:$0x0] =	wrdreg $0x60  }
0xae: {  	[dreg:$0x2] =	wrdreg s24  }
0xaf: {  	[dreg:$0x3] =	wrdreg $0x9  }
0xb0: {  	_ =	task.clear_ibuf [dreg:s6], $0x4FFFF;
	_ =	strace $0x90000046  }
0xb1: {  	s29 =	simm.s32 $0x9;
	_ =	strace $0x80000048  }
0xb2: {  	_ =	swait.ge [sflag:s29], $0x1  }
0xb3: {  	[sflag:s29] =	ssyncadd.s32 $0xFFFFFFFF  }
0xb4: {  	_ =	strace $0x90000048  }
0xb5: {  	_ =	sfence  }
0xb6: {  	s30 =	sld [smem:$0x0];
	_ =	sdelay $0x2  }
0xb7: {  	s31 =	sshll.u32 s1, $0xD;
	s1 =	sshrl.u32 s1, $0x2  }
0xb8: {  	s3 =	sand.u32 $0x4000, s31;
	s1 =	sadd.s32 s1, s30  }
0xb9: {  	s0 =	sor.u32 s3, s0;
	s1 =	sshll.u32 s1, $0x11  }
0xba: {  	s0 =	sor.u32 s1, s0  }
0xbb: {  	s0 =	sadd.s32 $0x8F2B, s0  }
0xbc: {  	[sflag:s0] =	ssyncadd.remote.s32 $0x1  }
0xbd: {  	_ =	sfence.sel $0xFFFF  }
0xbe: {  	[dreg:$0x0] =	wrdreg $0xFFFFFFFF;
	(pc) =	sbr.abs _section_cstart, $3  }
0xbf: {  	[dreg:$0x1] =	wrdreg $0xFFFFFFFF  }
0xc0: {  	_ =	task.clear_ibuf [dreg:s6], $0x2FFFF;
	_ =	strace $0x9FFFFFFF  }
0xc1: {  	(tm) =	ssettm $0x7FFFFFFF  }
tec
execute0_lowered:
.L_overlay_start_1:
0x0: {  	(tag) =	ssettag $0x1  }
0x1: {  	s1 =	srdreg.scid;
	s0 =	stileid.u32  }
0x2: {  	s23 =	sand.u32 $0x1, s1;
	s31 =	sshll.u32 s0, $0x1  }
0x3: {  	s24 =	sor.u32 s23, s31  }
0x4: {  	s22 =	rddreg [dreg:$0x0];
	s2 =	simm.s32 $0x0;
	s3 =	sshll.u32 s24, $0x10  }
0x5: {  	[smem:$0x7FF] =	sst s2;
	s21 =	sadd.s32 s3, s22  }
0x6: {  	s1 =	rddreg [dreg:$0x1];
	_ =	strace $0x80000047;
	s3 =	sadd.s32 $0x200000, s21  }
0x7: {  	[tilespmem:s2], [sflag:$0x1] =	stream.linear.gather [hbm4b:s3+s2], $0x8000, $0x38;
	[tilespmem:$0x10080] =	vst v63  }
0x8: {  	s5 =	simm.s32 $0x8000;
	s6 =	simm.s32 $0x1;
	s4 =	sadd.s32 $0x201000, s21  }
0x9: {  	[tilespmem:s5], [sflag:$0x2] =	stream.linear.gather [hbm4b:s4+s2], $0x8000, $0x38;
	[tilespmem:$0x10080] =	vst v63  }
0xa: {  	_ =	swait.ge [sflag:s6], $0x8000  }
0xb: {  	[sflag:s6] =	ssyncset.done $0x0  }
0xc: {  	s8 =	simm.s32 $0x2;
	s7 =	sadd.s32 $0x202000, s21;
	[sflag:s6] =	ssyncadd.s32 $0xFFFF8000  }
0xd: {  	[tilespmem:s2], [sflag:$0x1] =	stream.linear.gather [hbm4b:s7+s2], $0x8000, $0x38;
	[tilespmem:$0x10080] =	vst v63  }
0xe: {  	_ =	swait.ge [sflag:s8], $0x8000  }
0xf: {  	[sflag:s8] =	ssyncset.done $0x0  }
0x10: {  	s9 =	sadd.s32 $0x203000, s21;
	[sflag:s8] =	ssyncadd.s32 $0xFFFF8000  }
0x11: {  	[tilespmem:s5], [sflag:$0x2] =	stream.linear.gather [hbm4b:s9+s2], $0x8000, $0x38;
	[tilespmem:$0x10080] =	vst v63  }
0x12: {  	_ =	swait.ge [sflag:s6], $0x8000  }
0x13: {  	[sflag:s6] =	ssyncset.done $0x0  }
0x14: {  	s10 =	sadd.s32 $0x204000, s21;
	[sflag:s6] =	ssyncadd.s32 $0xFFFF8000  }
0x15: {  	[tilespmem:s2], [sflag:$0x1] =	stream.linear.gather [hbm4b:s10+s2], $0x8000, $0x38;
	[tilespmem:$0x10080] =	vst v63  }
0x16: {  	_ =	swait.ge [sflag:s8], $0x8000  }
0x17: {  	[sflag:s8] =	ssyncset.done $0x0  }
0x18: {  	s11 =	sadd.s32 $0x205000, s21;
	[sflag:s8] =	ssyncadd.s32 $0xFFFF8000  }
0x19: {  	[tilespmem:s5], [sflag:$0x2] =	stream.linear.gather [hbm4b:s11+s2], $0x8000, $0x38;
	[tilespmem:$0x10080] =	vst v63  }
0x1a: {  	_ =	swait.ge [sflag:s6], $0x8000  }
0x1b: {  	[sflag:s6] =	ssyncset.done $0x0  }
0x1c: {  	s12 =	sadd.s32 $0x206000, s21;
	[sflag:s6] =	ssyncadd.s32 $0xFFFF8000  }
0x1d: {  	[tilespmem:s2], [sflag:$0x1] =	stream.linear.gather [hbm4b:s12+s2], $0x8000, $0x38;
	[tilespmem:$0x10080] =	vst v63  }
0x1e: {  	_ =	swait.ge [sflag:s8], $0x8000  }
0x1f: {  	[sflag:s8] =	ssyncset.done $0x0  }
0x20: {  	s13 =	sadd.s32 $0x207000, s21;
	[sflag:s8] =	ssyncadd.s32 $0xFFFF8000  }
0x21: {  	[tilespmem:s5], [sflag:$0x2] =	stream.linear.gather [hbm4b:s13+s2], $0x8000, $0x38;
	[tilespmem:$0x10080] =	vst v63  }
0x22: {  	_ =	swait.ge [sflag:s6], $0x8000  }
0x23: {  	[sflag:s6] =	ssyncset.done $0x0  }
0x24: {  	s14 =	sadd.s32 $0x208000, s21;
	[sflag:s6] =	ssyncadd.s32 $0xFFFF8000  }
0x25: {  	[tilespmem:s2], [sflag:$0x1] =	stream.linear.gather [hbm4b:s14+s2], $0x8000, $0x38;
	[tilespmem:$0x10080] =	vst v63  }
0x26: {  	_ =	swait.ge [sflag:s8], $0x8000  }
0x27: {  	[sflag:s8] =	ssyncset.done $0x0  }
0x28: {  	s15 =	sadd.s32 $0x209000, s21;
	[sflag:s8] =	ssyncadd.s32 $0xFFFF8000  }
0x29: {  	[tilespmem:s5], [sflag:$0x2] =	stream.linear.gather [hbm4b:s15+s2], $0x8000, $0x38;
	[tilespmem:$0x10080] =	vst v63  }
0x2a: {  	_ =	swait.ge [sflag:s6], $0x8000  }
0x2b: {  	[sflag:s6] =	ssyncset.done $0x0  }
0x2c: {  	s16 =	sadd.s32 $0x20A000, s21;
	[sflag:s6] =	ssyncadd.s32 $0xFFFF8000  }
0x2d: {  	[tilespmem:s2], [sflag:$0x1] =	stream.linear.gather [hbm4b:s16+s2], $0x8000, $0x38;
	[tilespmem:$0x10080] =	vst v63  }
0x2e: {  	_ =	swait.ge [sflag:s8], $0x8000  }
0x2f: {  	[sflag:s8] =	ssyncset.done $0x0  }
0x30: {  	s17 =	sadd.s32 $0x20B000, s21;
	[sflag:s8] =	ssyncadd.s32 $0xFFFF8000  }
0x31: {  	[tilespmem:s5], [sflag:$0x2] =	stream.linear.gather [hbm4b:s17+s2], $0x8000, $0x38;
	[tilespmem:$0x10080] =	vst v63  }
0x32: {  	_ =	swait.ge [sflag:s6], $0x8000  }
0x33: {  	[sflag:s6] =	ssyncset.done $0x0  }
0x34: {  	s18 =	sadd.s32 $0x20C000, s21;
	[sflag:s6] =	ssyncadd.s32 $0xFFFF8000  }
0x35: {  	[tilespmem:s2], [sflag:$0x1] =	stream.linear.gather [hbm4b:s18+s2], $0x8000, $0x38;
	[tilespmem:$0x10080] =	vst v63  }
0x36: {  	_ =	swait.ge [sflag:s8], $0x8000  }
0x37: {  	[sflag:s8] =	ssyncset.done $0x0  }
0x38: {  	s19 =	sadd.s32 $0x20D000, s21;
	[sflag:s8] =	ssyncadd.s32 $0xFFFF8000  }
0x39: {  	[tilespmem:s5], [sflag:$0x2] =	stream.linear.gather [hbm4b:s19+s2], $0x8000, $0x38;
	[tilespmem:$0x10080] =	vst v63  }
0x3a: {  	_ =	swait.ge [sflag:s6], $0x8000  }
0x3b: {  	[sflag:s6] =	ssyncset.done $0x0  }
0x3c: {  	s20 =	sadd.s32 $0x20E000, s21;
	[sflag:s6] =	ssyncadd.s32 $0xFFFF8000  }
0x3d: {  	[tilespmem:s2], [sflag:$0x1] =	stream.linear.gather [hbm4b:s20+s2], $0x8000, $0x38;
	[tilespmem:$0x10080] =	vst v63  }
0x3e: {  	_ =	swait.ge [sflag:s8], $0x8000  }
0x3f: {  	[sflag:s8] =	ssyncset.done $0x0  }
0x40: {  	s21 =	sadd.s32 $0x20F000, s21;
	[sflag:s8] =	ssyncadd.s32 $0xFFFF8000  }
0x41: {  	[tilespmem:s5], [sflag:$0x2] =	stream.linear.gather [hbm4b:s21+s2], $0x8000, $0x38;
	[tilespmem:$0x10080] =	vst v63  }
0x42: {  	_ =	swait.ge [sflag:s6], $0x8000  }
0x43: {  	[sflag:s6] =	ssyncset.done $0x0  }
0x44: {  	[sflag:s6] =	ssyncadd.s32 $0xFFFF8000  }
0x45: {  	_ =	swait.ge [sflag:s8], $0x8000  }
0x46: {  	[sflag:s8] =	ssyncset.done $0x0  }
0x47: {  	[sflag:s8] =	ssyncadd.s32 $0xFFFF8000  }
0x48: {  	v0 =	vld [tilespmem:$0x0]  }
0x49: {  	s23 =	ssub.s32 $0x2, s23;
	v1 =	vld [tilespmem:$0x8000]  }
0x4a: {  	s25 =	sshrl.u32 s23, $0x1  }
0x4b: {  	s23 =	ssub.s32 s23, s25  }
0x4c: {  	s25 =	smax.u32 s23, $0x1  }
0x4d: {  	p0 =	sne.s32 s25, $0x1  }
.Ltmp0:
0x4e: {  	s24 =	sshll.u32 s24, $0x4;
	v0 =	vadd.f32 v1, v0;
	(pc) =	sbr.rel @!p0 .LBB2_2-.Ltmp0, $4  }
0x4f: {  	s22 =	sadd.s32 s24, s22  }
0x50: {  	s24 =	simm.s32 $0x3;
	s22 =	sadd.s32 $0x400000, s22;
	s23 =	simm.s32 $0x10000;
	[tilespmem:$0x10000] =	vst v0  }
0x51: {  	[hbm4b:s22+s2] =	stream.linear.scatter [tilespmem:s23], [sflag:$0x3], $0x80, $0x38;
	[tilespmem:$0x10080] =	vst v63  }
0x52: {  	s25 =	sadd.s32 $0xFFFFFFFF, s25;
	_ =	swait.ge [sflag:s24], $0x80  }
.LBB2_1:
0x53: {  	p0 =	sne.s32 s25, $0x1;
	s25 =	sadd.s32 $0xFFFFFFFF, s25;
	[sflag:s24] =	ssyncset.done $0x0  }
0x54: {  	[sflag:s24] =	ssyncadd.s32 $0xFFFFFF80  }
0x55: {  	[tilespmem:s2], [sflag:$0x1] =	stream.linear.gather [hbm4b:s3+s2], $0x8000, $0x38;
	[tilespmem:$0x10080] =	vst v63  }
0x56: {  	_ = 	snop  }
0x57: {  	[tilespmem:s5], [sflag:$0x2] =	stream.linear.gather [hbm4b:s4+s2], $0x8000, $0x38;
	[tilespmem:$0x10080] =	vst v63  }
0x58: {  	_ =	swait.ge [sflag:s6], $0x8000  }
0x59: {  	[sflag:s6] =	ssyncset.done $0x0  }
0x5a: {  	[sflag:s6] =	ssyncadd.s32 $0xFFFF8000  }
0x5b: {  	[tilespmem:s2], [sflag:$0x1] =	stream.linear.gather [hbm4b:s7+s2], $0x8000, $0x38;
	[tilespmem:$0x10080] =	vst v63  }
0x5c: {  	_ =	swait.ge [sflag:s8], $0x8000  }
0x5d: {  	[sflag:s8] =	ssyncset.done $0x0  }
0x5e: {  	[sflag:s8] =	ssyncadd.s32 $0xFFFF8000  }
0x5f: {  	[tilespmem:s5], [sflag:$0x2] =	stream.linear.gather [hbm4b:s9+s2], $0x8000, $0x38;
	[tilespmem:$0x10080] =	vst v63  }
0x60: {  	_ =	swait.ge [sflag:s6], $0x8000  }
0x61: {  	[sflag:s6] =	ssyncset.done $0x0  }
0x62: {  	[sflag:s6] =	ssyncadd.s32 $0xFFFF8000  }
0x63: {  	[tilespmem:s2], [sflag:$0x1] =	stream.linear.gather [hbm4b:s10+s2], $0x8000, $0x38;
	[tilespmem:$0x10080] =	vst v63  }
0x64: {  	_ =	swait.ge [sflag:s8], $0x8000  }
0x65: {  	[sflag:s8] =	ssyncset.done $0x0  }
0x66: {  	[sflag:s8] =	ssyncadd.s32 $0xFFFF8000  }
0x67: {  	[tilespmem:s5], [sflag:$0x2] =	stream.linear.gather [hbm4b:s11+s2], $0x8000, $0x38;
	[tilespmem:$0x10080] =	vst v63  }
0x68: {  	_ =	swait.ge [sflag:s6], $0x8000  }
0x69: {  	[sflag:s6] =	ssyncset.done $0x0  }
0x6a: {  	[sflag:s6] =	ssyncadd.s32 $0xFFFF8000  }
0x6b: {  	[tilespmem:s2], [sflag:$0x1] =	stream.linear.gather [hbm4b:s12+s2], $0x8000, $0x38;
	[tilespmem:$0x10080] =	vst v63  }
0x6c: {  	_ =	swait.ge [sflag:s8], $0x8000  }
0x6d: {  	[sflag:s8] =	ssyncset.done $0x0  }
0x6e: {  	[sflag:s8] =	ssyncadd.s32 $0xFFFF8000  }
0x6f: {  	[tilespmem:s5], [sflag:$0x2] =	stream.linear.gather [hbm4b:s13+s2], $0x8000, $0x38;
	[tilespmem:$0x10080] =	vst v63  }
0x70: {  	_ =	swait.ge [sflag:s6], $0x8000  }
0x71: {  	[sflag:s6] =	ssyncset.done $0x0  }
0x72: {  	[sflag:s6] =	ssyncadd.s32 $0xFFFF8000  }
0x73: {  	[tilespmem:s2], [sflag:$0x1] =	stream.linear.gather [hbm4b:s14+s2], $0x8000, $0x38;
	[tilespmem:$0x10080] =	vst v63  }
0x74: {  	_ =	swait.ge [sflag:s8], $0x8000  }
0x75: {  	[sflag:s8] =	ssyncset.done $0x0  }
0x76: {  	[sflag:s8] =	ssyncadd.s32 $0xFFFF8000  }
0x77: {  	[tilespmem:s5], [sflag:$0x2] =	stream.linear.gather [hbm4b:s15+s2], $0x8000, $0x38;
	[tilespmem:$0x10080] =	vst v63  }
0x78: {  	_ =	swait.ge [sflag:s6], $0x8000  }
0x79: {  	[sflag:s6] =	ssyncset.done $0x0  }
0x7a: {  	[sflag:s6] =	ssyncadd.s32 $0xFFFF8000  }
0x7b: {  	[tilespmem:s2], [sflag:$0x1] =	stream.linear.gather [hbm4b:s16+s2], $0x8000, $0x38;
	[tilespmem:$0x10080] =	vst v63  }
0x7c: {  	_ =	swait.ge [sflag:s8], $0x8000  }
0x7d: {  	[sflag:s8] =	ssyncset.done $0x0  }
0x7e: {  	[sflag:s8] =	ssyncadd.s32 $0xFFFF8000  }
0x7f: {  	[tilespmem:s5], [sflag:$0x2] =	stream.linear.gather [hbm4b:s17+s2], $0x8000, $0x38;
	[tilespmem:$0x10080] =	vst v63  }
0x80: {  	_ =	swait.ge [sflag:s6], $0x8000  }
0x81: {  	[sflag:s6] =	ssyncset.done $0x0  }
0x82: {  	[sflag:s6] =	ssyncadd.s32 $0xFFFF8000  }
0x83: {  	[tilespmem:s2], [sflag:$0x1] =	stream.linear.gather [hbm4b:s18+s2], $0x8000, $0x38;
	[tilespmem:$0x10080] =	vst v63  }
0x84: {  	_ =	swait.ge [sflag:s8], $0x8000  }
0x85: {  	[sflag:s8] =	ssyncset.done $0x0  }
0x86: {  	[sflag:s8] =	ssyncadd.s32 $0xFFFF8000  }
0x87: {  	[tilespmem:s5], [sflag:$0x2] =	stream.linear.gather [hbm4b:s19+s2], $0x8000, $0x38;
	[tilespmem:$0x10080] =	vst v63  }
0x88: {  	_ =	swait.ge [sflag:s6], $0x8000  }
0x89: {  	[sflag:s6] =	ssyncset.done $0x0  }
0x8a: {  	[sflag:s6] =	ssyncadd.s32 $0xFFFF8000  }
0x8b: {  	[tilespmem:s2], [sflag:$0x1] =	stream.linear.gather [hbm4b:s20+s2], $0x8000, $0x38;
	[tilespmem:$0x10080] =	vst v63  }
0x8c: {  	_ =	swait.ge [sflag:s8], $0x8000  }
0x8d: {  	[sflag:s8] =	ssyncset.done $0x0  }
0x8e: {  	[sflag:s8] =	ssyncadd.s32 $0xFFFF8000  }
0x8f: {  	[tilespmem:s5], [sflag:$0x2] =	stream.linear.gather [hbm4b:s21+s2], $0x8000, $0x38;
	[tilespmem:$0x10080] =	vst v63  }
0x90: {  	_ =	swait.ge [sflag:s6], $0x8000  }
0x91: {  	[sflag:s6] =	ssyncset.done $0x0  }
0x92: {  	[sflag:s6] =	ssyncadd.s32 $0xFFFF8000  }
0x93: {  	_ =	swait.ge [sflag:s8], $0x8000  }
0x94: {  	[sflag:s8] =	ssyncset.done $0x0  }
0x95: {  	[sflag:s8] =	ssyncadd.s32 $0xFFFF8000  }
0x96: {  	v0 =	vld [tilespmem:$0x0]  }
0x97: {  	v1 =	vld [tilespmem:$0x8000];
	_ =	sdelay $0x4  }
.Ltmp1:
0x98: {  	v0 =	vadd.f32 v1, v0;
	(pc) =	sbr.rel @p0 .LBB2_1-.Ltmp1, $4  }
0x99: {  	_ = 	snop  }
0x9a: {  	[tilespmem:$0x10000] =	vst v0  }
0x9b: {  	[hbm4b:s22+s2] =	stream.linear.scatter [tilespmem:s23], [sflag:$0x3], $0x80, $0x38;
	[tilespmem:$0x10080] =	vst v63  }
0x9c: {  	_ =	swait.ge [sflag:s24], $0x80  }
.LBB2_2:
0x9d: {  	[sflag:s24] =	ssyncset.done $0x0  }
0x9e: {  	[sflag:s24] =	ssyncadd.s32 $0xFFFFFF80  }
0x9f: {  	_ =	sfence.sel $0x180000  }
0xa0: {  	[bflag:$0x0] =	sbarrier.arrive $0xFFFF  }
0xa1: {  	p0 =	sne.s32 s0, $0x0;
	_ =	strace $0x90000047  }
0xa2: {  	s0 =	sadd.s32 @!p0 $0x100000, s1;
	[bflag:$0x2] =	sbarrier.arrive $0xFFFF  }
0xa3: {  	[sflag:s0] =	ssyncadd.tile.s32 @!p0 $0x1;
	_ =	shalt  }
.Lfunc_end2:
_tile_overlayer_lowered:
.L_overlay_start_2:
0xa4: {  	(tag) =	ssettag $0x2  }
0xa5: {  	s0 =	rddreg [dreg:$0x0];
	s2 =	stileid.u32  }
0xa6: {  	s1 =	rddreg [dreg:$0x1];
	p0 =	sne.s32 s2, $0x0  }
0xa7: {  	s3 =	rddreg [dreg:$0x2];
	[bflag:$0x3] =	sbarrier.arrive $0xFFFF;
	s2 =	simm.s32 @!p0 $0x1C03  }
0xa8: {  	[timem:s3], [sflag:s2] =	dma.local @!p0 [hbm:s0], s1  }
0xa9: {  	s0 =	simm.s32 @!p0 $0x3  }
0xaa: {  	_ =	swait.ge @!p0 [sflag:s0], s1  }
0xab: {  	s1 =	ssub.s32 @!p0 $0x0, s1;
	[sflag:s0] =	ssyncset.done @!p0 $0x0  }
0xac: {  	[sflag:s0] =	ssyncadd.s32 @!p0 s1  }
0xad: {  	[bflag:$0x3] =	sbarrier.arrive $0xFFFF  }
0xae: {  	_ =	shalt  }

</sc_bundles>
